<compile_context>
chip_gen: v7x
topology: tpu7x:2x2x1
jax: 0.10.2.dev20260603
libtpu: 0.0.44.dev20260713+nightly
codegen_flags: <defaults>
</compile_context>

<pallas_src>
import functools

import jax
import jax.numpy as jnp
from jax.experimental import pallas as pl
from jax.experimental.pallas import tpu as pltpu
from jax.experimental.pallas import tpu_sc as plsc

BETA = 5.5
C = 1000
S = 32
D = 1024
CS = C * S
B = 4096
LANES = 16
SENTINEL = -3.0


def _matvec_body(m_ref, q_ref, o_ref):
    m = m_ref[...]
    q = q_ref[...]
    o_ref[...] = jnp.sum(m * q, axis=1)


def _matvec(x, q, block_rows):
    n = x.shape[0]
    return pl.pallas_call(
        _matvec_body,
        grid=(pl.cdiv(n, block_rows),),
        in_specs=[
            pl.BlockSpec((block_rows, D), lambda i: (i, 0)),
            pl.BlockSpec((1, D), lambda i: (0, 0)),
        ],
        out_specs=pl.BlockSpec((block_rows,), lambda i: (i,)),
        out_shape=jax.ShapeDtypeStruct((n,), jnp.float32),
    )(x, q)



@functools.cache
def _make_sc_scatter():
    mesh = plsc.VectorSubcoreMesh(core_axis_name="c", subcore_axis_name="s", num_cores=1, num_subcores=1)

    @functools.partial(
        pl.kernel,
        out_type=jax.ShapeDtypeStruct((CS,), jnp.float32),
        mesh=mesh,
        scratch_types=[
            pltpu.VMEM((CS,), jnp.float32),
            pltpu.VMEM((B,), jnp.int32),
            pltpu.VMEM((B,), jnp.float32),
        ],
        compiler_params=pltpu.CompilerParams(needs_layout_passes=False),
    )
    def _sc_scatter(idx_hbm, sval_hbm, out_hbm, s_v, idx_v, val_v):
        cid = jax.lax.axis_index("c")
        sid = jax.lax.axis_index("s")

        @pl.when(jnp.logical_and(cid == 0, sid == 0))
        def _():
            pltpu.sync_copy(idx_hbm, idx_v)
            pltpu.sync_copy(sval_hbm, val_v)

            sent = jnp.full((LANES,), SENTINEL, jnp.float32)

            def fill(k, carry):
                s_v[pl.ds(k * LANES, LANES)] = sent
                return carry

            jax.lax.fori_loop(0, CS // LANES, fill, 0)

            def step(k, carry):
                iv = idx_v[pl.ds(k * LANES, LANES)]
                vv = val_v[pl.ds(k * LANES, LANES)]
                plsc.store_scatter(s_v, [iv], vv)
                return carry

            jax.lax.fori_loop(0, B // LANES, step, 0)
            pltpu.sync_copy(s_v, out_hbm)

    return _sc_scatter



def _reduce_body(s_ref, w_ref, o_ref):
    s = s_ref[...]
    wv = w_ref[...]
    m = jnp.where(wv > -2.0, wv, s)
    w = jnp.exp((-BETA) * (1.0 - m))
    f = w * m
    seg_row = jax.lax.broadcasted_iota(jnp.int32, (128, 4), 0) // S
    seg_col = jax.lax.broadcasted_iota(jnp.int32, (128, 4), 1)
    seg = (seg_row == seg_col).astype(jnp.float32)
    o_ref[...] = jax.lax.dot_general(
        f, seg, (((1,), (0,)), ((), ())), preferred_element_type=jnp.float32)


def _reduce(s2, w2):
    return pl.pallas_call(
        _reduce_body,
        out_shape=jax.ShapeDtypeStruct((CS // 128, 4), jnp.float32),
    )(s2, w2)



def kernel(mem, idx, val, img_feat):
    q = img_feat.astype(jnp.float32)
    s_val = _matvec(val, q, 2048)
    written = _make_sc_scatter()(idx.astype(jnp.int32),
                                 s_val)
    s_mem = _matvec(mem, q, 2048)
    logits4 = _reduce(s_mem.reshape(CS // 128, 128),
                      written.reshape(CS // 128, 128))
    return logits4.reshape(C)

# --- scband reference (transcript-rebuilt; emitter-appended) ---
"""Pipeline reference for scband-cliptta-44796508897389 (READ-ONLY COPY).

The authoritative reference and input builder live on the scoring server;
editing this copy changes nothing except your own understanding.
"""

import jax, jax.numpy as jnp
import numpy as np

BETA = 5.5
C = 1000      # class_num
S = 32        # memory_size per class
D = 1024      # feat_dim
B = 4096      # number of memory writes

def _l2norm(x):
    return x / jnp.linalg.norm(x, axis=-1, keepdims=True)

def setup_inputs(seed: int = 0) -> dict:
    key = jax.random.key(seed)
    k1, k2, k3, k4 = jax.random.split(key, 4)
    mem = _l2norm(jax.random.normal(k1, (C * S, D), dtype=jnp.float32))
    idx = jax.random.randint(k2, (B,), 0, C * S, dtype=jnp.int64 if jax.config.jax_enable_x64 else jnp.int32).astype(jnp.int32)
    val = _l2norm(jax.random.normal(k3, (B, D), dtype=jnp.float32))
    img_feat = _l2norm(jax.random.normal(k4, (1, D), dtype=jnp.float32))
    return {"mem": mem, "idx": idx, "val": val, "img_feat": img_feat}

def reference(mem, idx, val, img_feat):
    # CLIPTTA update_memory_bank ('local_global'): scatter-overwrite normalized
    # image features into the per-class memory slots addressed by pseudo-label idx.
    new_mem = mem.at[idx].set(val)
    # get_image_pred ('similarity_weighted'): cosine sim of the query feature
    # against every memorized feature, kernel-weighted (beta) class logits.
    mem3 = new_mem.reshape(C, S, D)
    sim = jnp.einsum("d,csd->cs", img_feat[0], mem3)            # [C, S]
    weight = jnp.exp(-BETA * (1.0 - sim))                        # affinity kernel
    logits = jnp.sum(weight * sim, axis=-1)                      # [C]
    return logits

if __name__ == "__main__":
    import jax
    _d = setup_inputs()
    print(jax.jit(kernel)(*tuple(_d.values())))

</pallas_src>

<mosaic_0001>
#map = affine_map<(d0, d1) -> (0)>
module attributes {stable_mosaic.version = 14 : i64} {
  func.func @_sc_scatter(%arg0: i32, %arg1: i32, %arg2: memref<4096xi32, #tpu.memory_space<hbm>>, %arg3: memref<4096xf32, #tpu.memory_space<hbm>>, %arg4: memref<32000xf32, #tpu.memory_space<hbm>>, %arg5: memref<32000xf32, #tpu.memory_space<vmem>>, %arg6: memref<4096xi32, #tpu.memory_space<vmem>>, %arg7: memref<4096xf32, #tpu.memory_space<vmem>>) attributes {dimension_semantics = [#tpu.dimension_semantics<core_parallel>, #tpu.dimension_semantics<subcore_parallel>], iteration_bounds = array<i64: 1, 1>, scalar_prefetch = 0 : i64, scratch_operands = 3 : i64, tpu.core_type = #tpu.core_type<sc_vector_subcore>, window_params = [{transform_indices = #map}, {transform_indices = #map}, {transform_indices = #map}]} {
    %eq3A = arith.constant 0 : i32
    %eq3A_0 = arith.cmpi eq, %arg0, %eq3A : i32
    %eq3A_1 = arith.constant 0 : i32
    %eq3A_2 = arith.cmpi eq, %arg1, %eq3A_1 : i32
    %and3A = arith.andi %eq3A_0, %eq3A_2 : i1
    %convert_element_type3A = arith.extui %and3A : i1 to i32
    %cond3A = arith.constant 0 : i32
    %cond3A_3 = arith.cmpi ne, %convert_element_type3A, %cond3A : i32
    scf.if %cond3A_3 {
      "tpu.region"() ({
        %run_scoped3A = tpu.sem_alloc : memref<!tpu.dma_semaphore, #tpu.memory_space<semaphore_mem>>
        tpu.enqueue_dma source(%arg2 : memref<4096xi32, #tpu.memory_space<hbm>>) target(%arg6 : memref<4096xi32, #tpu.memory_space<vmem>>) target_semaphore(%run_scoped3A : memref<!tpu.dma_semaphore, #tpu.memory_space<semaphore_mem>>)
        tpu.wait_dma2 semaphore(%run_scoped3A : memref<!tpu.dma_semaphore, #tpu.memory_space<semaphore_mem>>) src(%arg2 : memref<4096xi32, #tpu.memory_space<hbm>>) dst(%arg6 : memref<4096xi32, #tpu.memory_space<vmem>>)
        tpu.yield
      }) : () -> ()
      "tpu.region"() ({
        %run_scoped3A = tpu.sem_alloc : memref<!tpu.dma_semaphore, #tpu.memory_space<semaphore_mem>>
        tpu.enqueue_dma source(%arg3 : memref<4096xf32, #tpu.memory_space<hbm>>) target(%arg7 : memref<4096xf32, #tpu.memory_space<vmem>>) target_semaphore(%run_scoped3A : memref<!tpu.dma_semaphore, #tpu.memory_space<semaphore_mem>>)
        tpu.wait_dma2 semaphore(%run_scoped3A : memref<!tpu.dma_semaphore, #tpu.memory_space<semaphore_mem>>) src(%arg3 : memref<4096xf32, #tpu.memory_space<hbm>>) dst(%arg7 : memref<4096xf32, #tpu.memory_space<vmem>>)
        tpu.yield
      }) : () -> ()
      %broadcast_in_dim3A = arith.constant -3.000000e+00 : f32
      %broadcast_in_dim3A_4 = vector.broadcast %broadcast_in_dim3A : f32 to vector<16xf32>
      %scan3A = arith.constant 0 : i32
      %scan3A_5 = arith.constant 0 : i32
      %scan3A_6 = arith.constant 2000 : i32
      %scan3A_7 = arith.addi %scan3A_5, %scan3A_6 : i32
      %scan3A_8 = arith.constant 1 : i32
      scf.for %scan3A_16 = %scan3A_5 to %scan3A_7 step %scan3A_8  : i32 {
        %mul3A = arith.constant 16 : i32
        %mul3A_17 = arith.muli %scan3A_16, %mul3A : i32
        %swap3A = arith.index_cast %mul3A_17 : i32 to index
        %swap3A_18 = tpu.vector_load %arg5[%swap3A] {strides = array<i32>} : memref<32000xf32, #tpu.memory_space<vmem>>, vector<16xf32>,
        tpu.vector_store %arg5[%swap3A], %broadcast_in_dim3A_4 {strides = array<i32>} : memref<32000xf32, #tpu.memory_space<vmem>>, vector<16xf32>,
      }
      %scan3A_9 = arith.constant 2000 : i32
      %scan3A_10 = arith.constant 0 : i32
      %scan3A_11 = arith.constant 0 : i32
      %scan3A_12 = arith.constant 256 : i32
      %scan3A_13 = arith.addi %scan3A_11, %scan3A_12 : i32
      %scan3A_14 = arith.constant 1 : i32
      scf.for %scan3A_16 = %scan3A_11 to %scan3A_13 step %scan3A_14  : i32 {
        %mul3A = arith.constant 16 : i32
        %mul3A_17 = arith.muli %scan3A_16, %mul3A : i32
        %get3A = arith.index_cast %mul3A_17 : i32 to index
        %get3A_18 = tpu.vector_load %arg6[%get3A] {strides = array<i32>} : memref<4096xi32, #tpu.memory_space<vmem>>, vector<16xi32>,
        %mul3A_19 = arith.constant 16 : i32
        %mul3A_20 = arith.muli %scan3A_16, %mul3A_19 : i32
        %get3A_21 = arith.index_cast %mul3A_20 : i32 to index
        %get3A_22 = tpu.vector_load %arg7[%get3A_21] {strides = array<i32>} : memref<4096xf32, #tpu.memory_space<vmem>>, vector<16xf32>,
        tpu.vector_store_idx %arg5[%get3A_18], %get3A_22 : memref<32000xf32, #tpu.memory_space<vmem>>[vector<16xi32>], vector<16xf32>,
      }
      %scan3A_15 = arith.constant 256 : i32
      "tpu.region"() ({
        %run_scoped3A = tpu.sem_alloc : memref<!tpu.dma_semaphore, #tpu.memory_space<semaphore_mem>>
        tpu.enqueue_dma source(%arg5 : memref<32000xf32, #tpu.memory_space<vmem>>) target(%arg4 : memref<32000xf32, #tpu.memory_space<hbm>>) target_semaphore(%run_scoped3A : memref<!tpu.dma_semaphore, #tpu.memory_space<semaphore_mem>>)
        tpu.wait_dma2 semaphore(%run_scoped3A : memref<!tpu.dma_semaphore, #tpu.memory_space<semaphore_mem>>) src(%arg5 : memref<32000xf32, #tpu.memory_space<vmem>>) dst(%arg4 : memref<32000xf32, #tpu.memory_space<hbm>>)
        tpu.yield
      }) : () -> ()
    } else {
    }
    return
  }
}

module attributes {stable_mosaic.version = 14 : i64} {
  func.func @_reduce_body(%arg0: memref<250x128xf32, #tpu.memory_space<vmem>>, %arg1: memref<250x128xf32, #tpu.memory_space<vmem>>, %arg2: memref<250x4xf32, #tpu.memory_space<vmem>>) attributes {dimension_semantics = [], scalar_prefetch = 0 : i64, scratch_operands = 0 : i64, tpu.core_type = #tpu.core_type<tc>} {
    %get3A = arith.constant 0 : index
    %get3A_0 = arith.constant 0 : index
    %get3A_1 = vector.load %arg0[%get3A, %get3A_0] : memref<250x128xf32, #tpu.memory_space<vmem>>, vector<250x128xf32>
    %get3A_2 = arith.constant 0 : index
    %get3A_3 = arith.constant 0 : index
    %get3A_4 = vector.load %arg1[%get3A_2, %get3A_3] : memref<250x128xf32, #tpu.memory_space<vmem>>, vector<250x128xf32>
    %gt3A = arith.constant -2.000000e+00 : f32
    %gt3A_5 = vector.broadcast %gt3A : f32 to vector<250x128xf32>
    %gt3A_6 = arith.cmpf ogt, %get3A_4, %gt3A_5 : vector<250x128xf32>
    %select_n3A = arith.select %gt3A_6, %get3A_4, %get3A_1 : vector<250x128xi1>, vector<250x128xf32>
    %sub3A = arith.constant 1.000000e+00 : f32
    %sub3A_7 = vector.broadcast %sub3A : f32 to vector<250x128xf32>
    %sub3A_8 = arith.subf %sub3A_7, %select_n3A : vector<250x128xf32>
    %mul3A = arith.constant -5.500000e+00 : f32
    %mul3A_9 = vector.broadcast %mul3A : f32 to vector<250x128xf32>
    %mul3A_10 = arith.mulf %mul3A_9, %sub3A_8 : vector<250x128xf32>
    %exp3A = math.exp %mul3A_10 : vector<250x128xf32>
    %mul3A_11 = arith.mulf %exp3A, %select_n3A : vector<250x128xf32>
    %iota3A = tpu.iota {dimensions = array<i32: 0>} : vector<128x4xi32>
    %jit3A = arith.constant 32 : i32
    %div3A = vector.broadcast %jit3A : i32 to vector<128x4xi32>
    %div3A_12 = arith.divsi %iota3A, %div3A : vector<128x4xi32>
    %sign3A = arith.constant 0 : i32
    %sign3A_13 = vector.broadcast %sign3A : i32 to vector<128x4xi32>
    %sign3A_14 = arith.cmpi sgt, %iota3A, %sign3A_13 : vector<128x4xi32>
    %sign3A_15 = arith.extui %sign3A_14 : vector<128x4xi1> to vector<128x4xi32>
    %sign3A_16 = arith.constant 0 : i32
    %sign3A_17 = vector.broadcast %sign3A_16 : i32 to vector<128x4xi32>
    %sign3A_18 = arith.cmpi slt, %iota3A, %sign3A_17 : vector<128x4xi32>
    %sign3A_19 = arith.extui %sign3A_18 : vector<128x4xi1> to vector<128x4xi32>
    %sign3A_20 = arith.subi %sign3A_15, %sign3A_19 : vector<128x4xi32>
    %sign3A_21 = arith.constant 0 : i32
    %sign3A_22 = arith.cmpi sgt, %jit3A, %sign3A_21 : i32
    %sign3A_23 = arith.extui %sign3A_22 : i1 to i32
    %sign3A_24 = arith.constant 0 : i32
    %sign3A_25 = arith.cmpi slt, %jit3A, %sign3A_24 : i32
    %sign3A_26 = arith.extui %sign3A_25 : i1 to i32
    %sign3A_27 = arith.subi %sign3A_23, %sign3A_26 : i32
    %ne3A = vector.broadcast %sign3A_27 : i32 to vector<128x4xi32>
    %ne3A_28 = arith.cmpi ne, %sign3A_20, %ne3A : vector<128x4xi32>
    %rem3A = vector.broadcast %jit3A : i32 to vector<128x4xi32>
    %rem3A_29 = arith.remsi %iota3A, %rem3A : vector<128x4xi32>
    %ne3A_30 = arith.constant 0 : i32
    %ne3A_31 = vector.broadcast %ne3A_30 : i32 to vector<128x4xi32>
    %ne3A_32 = arith.cmpi ne, %rem3A_29, %ne3A_31 : vector<128x4xi32>
    %and3A = arith.andi %ne3A_28, %ne3A_32 : vector<128x4xi1>
    %sub3A_33 = arith.constant 1 : i32
    %sub3A_34 = vector.broadcast %sub3A_33 : i32 to vector<128x4xi32>
    %sub3A_35 = arith.subi %div3A_12, %sub3A_34 : vector<128x4xi32>
    %select_n3A_36 = arith.select %and3A, %sub3A_35, %div3A_12 : vector<128x4xi1>, vector<128x4xi32>
    %iota3A_37 = tpu.iota {dimensions = array<i32: 1>} : vector<128x4xi32>
    %eq3A = arith.cmpi eq, %select_n3A_36, %iota3A_37 : vector<128x4xi32>
    %convert_element_type3A = arith.extui %eq3A : vector<128x4xi1> to vector<128x4xi32>
    %convert_element_type3A_38 = arith.sitofp %convert_element_type3A : vector<128x4xi32> to vector<128x4xf32>
    %dot_general3A = arith.constant dense<0.000000e+00> : vector<250x4xf32>
    %dot_general3A_39 = tpu.matmul %mul3A_11, %convert_element_type3A_38, %dot_general3A {dimension_numbers = #tpu.dot_dimension_numbers<[1], [0], [0], [1], [0, 0, 1, 1], [], []>, transpose_lhs_hint = false} : vector<250x128xf32>, vector<128x4xf32>, vector<250x4xf32> -> vector<250x4xf32>
    %swap3A = arith.constant 0 : index
    %swap3A_40 = arith.constant 0 : index
    %swap3A_41 = vector.load %arg2[%swap3A, %swap3A_40] : memref<250x4xf32, #tpu.memory_space<vmem>>, vector<250x4xf32>
    tpu.vector_store %arg2[%swap3A, %swap3A_40], %dot_general3A_39 {strides = array<i32>} : memref<250x4xf32, #tpu.memory_space<vmem>>, vector<250x4xf32>,
    return
  }
}

module attributes {stable_mosaic.version = 14 : i64} {
  func.func @_matvec_body(%arg0: i32, %arg1: memref<2048x1024xf32, #tpu.memory_space<vmem>>, %arg2: memref<1x1024xf32, #tpu.memory_space<vmem>>, %arg3: memref<2048xf32, #tpu.memory_space<vmem>>) attributes {dimension_semantics = [#tpu.dimension_semantics<arbitrary>], iteration_bounds = array<i64: 2>, scalar_prefetch = 0 : i64, scratch_operands = 0 : i64, tpu.core_type = #tpu.core_type<tc>, window_params = [{transform_indices = @transform_0, window_bounds = array<i64: 2048, 1024>}, {pipeline_mode = #tpu.pipeline_mode<synchronous>, transform_indices = @transform_1, window_bounds = array<i64: 1, 1024>}, {transform_indices = @transform_2, window_bounds = array<i64: 2048>}]} {
    %get3A = arith.constant 0 : index
    %get3A_0 = arith.constant 0 : index
    %get3A_1 = vector.load %arg1[%get3A, %get3A_0] : memref<2048x1024xf32, #tpu.memory_space<vmem>>, vector<2048x1024xf32>
    %get3A_2 = arith.constant 0 : index
    %get3A_3 = arith.constant 0 : index
    %get3A_4 = vector.load %arg2[%get3A_2, %get3A_3] : memref<1x1024xf32, #tpu.memory_space<vmem>>, vector<1x1024xf32>
    %mul3A = vector.broadcast %get3A_4 : vector<1x1024xf32> to vector<2048x1024xf32>
    %mul3A_5 = arith.mulf %get3A_1, %mul3A : vector<2048x1024xf32>
    %reduce_sum3A = arith.constant dense<0.000000e+00> : vector<2048xf32>
    %reduce_sum3A_6 = vector.multi_reduction <add>, %mul3A_5, %reduce_sum3A [1] : vector<2048x1024xf32> to vector<2048xf32>
    %swap3A = arith.constant 0 : index
    %swap3A_7 = vector.load %arg3[%swap3A] : memref<2048xf32, #tpu.memory_space<vmem>>, vector<2048xf32>
    tpu.vector_store %arg3[%swap3A], %reduce_sum3A_6 {strides = array<i32>} : memref<2048xf32, #tpu.memory_space<vmem>>, vector<2048xf32>,
    return
  }
  func.func @transform_0(%arg0: i32) -> (i32, i32) {
    %c0_i32 = arith.constant 0 : i32
    %c0_i32_0 = arith.constant 0 : i32
    return %arg0, %c0_i32 : i32, i32
  }
  func.func @transform_1(%arg0: i32) -> (i32, i32) {
    %c0_i32 = arith.constant 0 : i32
    %c0_i32_0 = arith.constant 0 : i32
    %c0_i32_1 = arith.constant 0 : i32
    return %c0_i32, %c0_i32_0 : i32, i32
  }
  func.func @transform_2(%arg0: i32) -> i32 {
    %c0_i32 = arith.constant 0 : i32
    return %arg0 : i32
  }
}

module attributes {stable_mosaic.version = 14 : i64} {
  func.func @_matvec_body(%arg0: i32, %arg1: memref<2048x1024xf32, #tpu.memory_space<vmem>>, %arg2: memref<1x1024xf32, #tpu.memory_space<vmem>>, %arg3: memref<2048xf32, #tpu.memory_space<vmem>>) attributes {dimension_semantics = [#tpu.dimension_semantics<arbitrary>], iteration_bounds = array<i64: 16>, scalar_prefetch = 0 : i64, scratch_operands = 0 : i64, tpu.core_type = #tpu.core_type<tc>, window_params = [{transform_indices = @transform_0, window_bounds = array<i64: 2048, 1024>}, {pipeline_mode = #tpu.pipeline_mode<synchronous>, transform_indices = @transform_1, window_bounds = array<i64: 1, 1024>}, {transform_indices = @transform_2, window_bounds = array<i64: 2048>}]} {
    %get3A = arith.constant 0 : index
    %get3A_0 = arith.constant 0 : index
    %get3A_1 = vector.load %arg1[%get3A, %get3A_0] : memref<2048x1024xf32, #tpu.memory_space<vmem>>, vector<2048x1024xf32>
    %get3A_2 = arith.constant 0 : index
    %get3A_3 = arith.constant 0 : index
    %get3A_4 = vector.load %arg2[%get3A_2, %get3A_3] : memref<1x1024xf32, #tpu.memory_space<vmem>>, vector<1x1024xf32>
    %mul3A = vector.broadcast %get3A_4 : vector<1x1024xf32> to vector<2048x1024xf32>
    %mul3A_5 = arith.mulf %get3A_1, %mul3A : vector<2048x1024xf32>
    %reduce_sum3A = arith.constant dense<0.000000e+00> : vector<2048xf32>
    %reduce_sum3A_6 = vector.multi_reduction <add>, %mul3A_5, %reduce_sum3A [1] : vector<2048x1024xf32> to vector<2048xf32>
    %swap3A = arith.constant 0 : index
    %swap3A_7 = vector.load %arg3[%swap3A] : memref<2048xf32, #tpu.memory_space<vmem>>, vector<2048xf32>
    tpu.vector_store %arg3[%swap3A], %reduce_sum3A_6 {strides = array<i32>} : memref<2048xf32, #tpu.memory_space<vmem>>, vector<2048xf32>,
    return
  }
  func.func @transform_0(%arg0: i32) -> (i32, i32) {
    %c0_i32 = arith.constant 0 : i32
    %c0_i32_0 = arith.constant 0 : i32
    return %arg0, %c0_i32 : i32, i32
  }
  func.func @transform_1(%arg0: i32) -> (i32, i32) {
    %c0_i32 = arith.constant 0 : i32
    %c0_i32_0 = arith.constant 0 : i32
    %c0_i32_1 = arith.constant 0 : i32
    return %c0_i32, %c0_i32_0 : i32, i32
  }
  func.func @transform_2(%arg0: i32) -> i32 {
    %c0_i32 = arith.constant 0 : i32
    return %arg0 : i32
  }
}

</mosaic_0001>

<sc_bundles>
// kernel: kernel.6.cloned.1.call-start
scs
__scs_entry_jumppad:
0x0: {  	(pc) =	sbr.rel $0x88, $3  }
0x1: {  	(tag) =	ssettag $0x0;
	lr =	simm.s32 $0x1  }
0x2: {  	[smem:$0x3F9D] =	sst lr;
	_ =	strace $0xD0000000  }
0x3: {  	_ = 	snop  }
0x4: {  	_ = 	snop  }
0x5: {  	_ = 	snop  }
0x6: {  	_ = 	snop  }
0x7: {  	_ = 	snop  }
__scs_overlays_trampoline_lowered:
0x8: {  	[smem:$0x3FAC] =	sst s0  }
0x9: {  	[smem:$0x3FAD] =	sst s1  }
0xa: {  	[smem:$0x3FAE] =	sst s2  }
0xb: {  	[smem:$0x3FAF] =	sst s3  }
0xc: {  	[smem:$0x3FB0] =	sst s4  }
0xd: {  	[smem:$0x3FB1] =	sst s5  }
0xe: {  	[smem:$0x3FB2] =	sst s6  }
0xf: {  	[smem:$0x3FB3] =	sst s7  }
0x10: {  	[smem:$0x3FB4] =	sst s8  }
0x11: {  	[smem:$0x3FB5] =	sst s9;
	s0 =	simm.s32 @!p0 $0x0  }
0x12: {  	s1 =	sld [smem:$0x3F9B];
	s0 =	simm.s32 @p0 $0x1  }
0x13: {  	[smem:$0x3FB6] =	sst s0;
	s0 =	simm.s32 @!p1 $0x0  }
0x14: {  	s2 =	sld [smem:$0x3F9A];
	s0 =	simm.s32 @p1 $0x1  }
0x15: {  	[smem:$0x3FB7] =	sst s0;
	s0 =	simm.s32 @!p2 $0x0  }
0x16: {  	s3 =	sld [smem:$0x3FDB];
	s0 =	simm.s32 @p2 $0x1  }
0x17: {  	s4 =	simm.s32 $0x1BF5;
	[smem:$0x3FB9] =	sst s0  }
0x18: {  	s0 =	sld [smem:$0x3F9C];
	_ =	swait.ge [sflag:s4], $0x0  }
0x19: {  	s7 =	sld [smem:$0x3F9D]  }
0x1a: {  	s8 =	sadd.s32 $0xFFFFE003, lr  }
0x1b: {  	s9 =	sadd.s32 $0xFFFFFEF7, lr;
	s5 =	simm.s32 $0xFFFFFFFF;
	p2 =	slt.u32 s8, $0xFFFFF086  }
0x1c: {  	p1 =	slt.u32 s9, $0xF7A;
	s5 =	simm.s32 @!p2 $0x0  }
0x1d: {  	s5 =	simm.s32 @p1 $0x1;
	p0 =	seq.s32 s7, s2  }
0x1e: {  	s7 =	smul.u32 @!p0 $0xF7A, s2;
	p2 =	seq.s32 @!p0 s5, $0x0  }
0x1f: {  	s9 =	smul.u32 $0xF7A, s1;
	s8 =	simm.s32 @!p0 $0x1BF5;
	p2 =	por !p2, p0  }
0x20: {  	[sflag:s8] =	ssyncset.s32 @!p0 $0xFFFFF086;
	s6 =	sadd.s32 @!p0 s3, s7;
	s7 =	simm.s32 @!p0 $0x108  }
0x21: {  	s3 =	sadd.s32 s3, s9;
	s6 =	sadd.s32 @!p0 $0x88, s6;
	s7 =	simm.s32 @p2 $0x1082  }
0x22: {  	[simem:s7], [sflag:s8] =	dma.local @!p0 [hbm:s6], $0xF7A  }
0x23: {  	s9 =	sor.u32 $0xD0000000, s2;
	s6 =	simm.s32 $0x108;
	_ =	swait.ge @!p0 [sflag:s8], $0x0  }
0x24: {  	s3 =	sadd.s32 $0x88, s3;
	s6 =	simm.s32 @!p1 $0x1082;
	[sflag:s4] =	ssyncset.s32 $0xFFFFF086  }
0x25: {  	[simem:s6], [sflag:s4] =	dma.local [hbm:s3], $0xF7A  }
0x26: {  	[smem:$0x3F9D] =	sst s1;
	(tag) =	ssettag s2;
	_ =	strace s9  }
0x27: {  	s1 =	sld [smem:$0x3FAD]  }
0x28: {  	s2 =	sld [smem:$0x3FAE]  }
0x29: {  	s4 =	sld [smem:$0x3FB0]  }
0x2a: {  	p0 =	seq.s32 s5, $0x0;
	s5 =	sld [smem:$0x3FB1]  }
0x2b: {  	s6 =	sld [smem:$0x3FB2]  }
0x2c: {  	s7 =	sld [smem:$0x3FB3]  }
0x2d: {  	s3 =	simm.s32 $0x108;
	s8 =	sld [smem:$0x3FB4]  }
0x2e: {  	s3 =	simm.s32 @!p0 $0x1082;
	s9 =	sld [smem:$0x3FB5]  }
0x2f: {  	lr =	sadd.s32 s0, s3;
	s0 =	sld [smem:$0x3FAC]  }
0x30: {  	s3 =	sld [smem:$0x3FAF]  }
0x31: {  	[smem:$0x3FB8] =	sst s10  }
0x32: {  	s10 =	sld [smem:$0x3FB6];
	_ =	sdelay $0x3  }
0x33: {  	p0 =	seq.s32 s10, $0x1;
	s10 =	sld [smem:$0x3FB8];
	_ =	sdelay $0x3  }
0x34: {  	[smem:$0x3FB8] =	sst s10  }
0x35: {  	s10 =	sld [smem:$0x3FB7];
	_ =	sdelay $0x3  }
0x36: {  	p1 =	seq.s32 s10, $0x1;
	s10 =	sld [smem:$0x3FB8];
	_ =	sdelay $0x3  }
0x37: {  	[smem:$0x3FB8] =	sst s10  }
0x38: {  	s10 =	sld [smem:$0x3FB9]  }
0x39: {  	_ = 	snop;
	(pc) =	sbr.ind lr, $3  }
0x3a: {  	_ = 	snop  }
0x3b: {  	_ = 	snop  }
0x3c: {  	p2 =	seq.s32 s10, $0x1;
	s10 =	sld [smem:$0x3FB8]  }
0x3d: {  	_ =	shalt  }
0x3e: {  	_ =	shalt  }
0x3f: {  	_ =	shalt  }
0x40: {  	_ =	shalt  }
0x41: {  	_ =	shalt  }
0x42: {  	_ =	shalt  }
0x43: {  	_ =	shalt  }
0x44: {  	_ =	shalt  }
0x45: {  	_ =	shalt  }
0x46: {  	_ =	shalt  }
0x47: {  	_ =	shalt  }
0x48: {  	_ =	shalt  }
0x49: {  	_ =	shalt  }
0x4a: {  	_ =	shalt  }
0x4b: {  	_ =	shalt  }
0x4c: {  	_ =	shalt  }
0x4d: {  	_ =	shalt  }
0x4e: {  	_ =	shalt  }
0x4f: {  	_ =	shalt  }
0x50: {  	_ =	shalt  }
0x51: {  	_ =	shalt  }
0x52: {  	_ =	shalt  }
0x53: {  	_ =	shalt  }
0x54: {  	_ =	shalt  }
0x55: {  	_ =	shalt  }
0x56: {  	_ =	shalt  }
0x57: {  	_ =	shalt  }
0x58: {  	_ =	shalt  }
0x59: {  	_ =	shalt  }
0x5a: {  	_ =	shalt  }
0x5b: {  	_ =	shalt  }
0x5c: {  	_ =	shalt  }
0x5d: {  	_ =	shalt  }
0x5e: {  	_ =	shalt  }
0x5f: {  	_ =	shalt  }
0x60: {  	_ =	shalt  }
0x61: {  	_ =	shalt  }
0x62: {  	_ =	shalt  }
0x63: {  	_ =	shalt  }
0x64: {  	_ =	shalt  }
0x65: {  	_ =	shalt  }
0x66: {  	_ =	shalt  }
0x67: {  	_ =	shalt  }
0x68: {  	_ =	shalt  }
0x69: {  	_ =	shalt  }
0x6a: {  	_ =	shalt  }
0x6b: {  	_ =	shalt  }
0x6c: {  	_ =	shalt  }
0x6d: {  	_ =	shalt  }
0x6e: {  	_ =	shalt  }
0x6f: {  	_ =	shalt  }
0x70: {  	_ =	shalt  }
0x71: {  	_ =	shalt  }
0x72: {  	_ =	shalt  }
0x73: {  	_ =	shalt  }
0x74: {  	_ =	shalt  }
0x75: {  	_ =	shalt  }
0x76: {  	_ =	shalt  }
0x77: {  	_ =	shalt  }
0x78: {  	_ =	shalt  }
0x79: {  	_ =	shalt  }
0x7a: {  	_ =	shalt  }
0x7b: {  	_ =	shalt  }
0x7c: {  	_ =	shalt  }
0x7d: {  	_ =	shalt  }
0x7e: {  	_ =	shalt  }
0x7f: {  	_ =	shalt  }
0x80: {  	_ =	shalt  }
0x81: {  	_ =	shalt  }
0x82: {  	_ =	shalt  }
0x83: {  	_ =	shalt  }
0x84: {  	_ =	shalt  }
0x85: {  	_ =	shalt  }
0x86: {  	_ =	shalt  }
0x87: {  	_ =	shalt  }
.Lfunc_end0:
.L_simem_size_0:
called_computation_lowered:
.L_overlay_start_0:
0x88: {  	s0 =	sld [smem:$0x3FD9]  }
0x89: {  	s1 =	sld [smem:$0x3FFE];
	_ =	sdelay $0x3  }
0x8a: {  	s0 =	sadd.s32 s1, s0  }
0x8b: {  	[smem:$0x3FC4] =	sst s0  }
0x8c: {  	_ = 	snop  }
0x8d: {  	s0 =	sld [smem:$0x3FC8];
	(tm) =	ssettm $0x1  }
0x8e: {  	s16 =	sld [smem:$0x3FFB];
	_ =	sdelay $0x3  }
0x8f: {  	_ =	strace s16  }
0x90: {  	s1 =	sld [smem:$0x3FFC];
	_ =	sdelay $0x3  }
0x91: {  	_ =	strace s1  }
0x92: {  	s1 =	sld [smem:$0x3FFD];
	_ =	sdelay $0x3  }
0x93: {  	_ =	strace s1  }
0x94: {  	_ =	strace $0x8FFFFFFF  }
0x95: {  	s17 =	sld [smem:$0x3FDB];
	_ =	sdelay $0x1  }
0x96: {  	s2 =	simm.s32 $_scs_section_size  }
0x97: {  	s3 =	simm.s32 $_size__tile_overlayer_lowered;
	s4 =	simm.s32 $_tile_overlayer_lowered  }
0x98: {  	s20 =	simm.s32 $0x1BFF;
	s19 =	sshll.u32 s4, $0x1;
	s1 =	sadd.s32 s2, s17  }
0x99: {  	s5 =	simm.s32 $0x0;
	s18 =	sshll.u32 s3, $0x1;
	s3 =	sadd.s32 s19, s1  }
0x9a: {  	[timem:s5], [sflag:s20] =	dma.local [hbm:s3], s18  }
0x9b: {  	_ =	swait.ge [sflag:s20], s18  }
0x9c: {  	s2 =	ssub.s32 $0x0, s18;
	[sflag:s20] =	ssyncset.done $0x0  }
0x9d: {  	[sflag:s20] =	ssyncadd.s32 s2;
	_ =	sdelay $0x1  }
0x9e: {  	s21 =	simm.s32 $0x1B8B  }
0x9f: {  	_ =	swait.ge [sflag:s21], $0x1  }
0xa0: {  	[sflag:s21] =	ssyncset.done $0x0  }
0xa1: {  	s23 =	simm.s32 $0x1B8E;
	s22 =	sld [smem:$0x3FFE];
	[sflag:s21] =	ssyncadd.s32 $0xFFFFFFFF  }
0xa2: {  	s24 =	simm.s32 $execute0_lowered;
	[smem:$0x3FD2] =	sst s23  }
0xa3: {  	s3 =	sshll.u32 s24, $0x1;
	_ =	strace $0x80000046;
	[dreg:$0x1] =	wrdreg $0xFFFFFFFF  }
0xa4: {  	s25 =	simm.s32 $_size_execute0_lowered;
	s1 =	sadd.s32 s1, s3;
	[dreg:$0x0] =	wrdreg $0x0  }
0xa5: {  	s3 =	sshll.u32 s25, $0x1;
	[dreg:$0x2] =	wrdreg s1  }
0xa6: {  	[dreg:$0x3] =	wrdreg s3  }
0xa7: {  	[dreg:$0x4] =	wrdreg $0xC0  }
0xa8: {  	_ =	task [dreg:s5], $0x5FFFF  }
0xa9: {  	[dreg:$0x1] =	wrdreg $0xFFFFFFFF  }
0xaa: {  	[dreg:$0x0] =	wrdreg $0x60  }
0xab: {  	[dreg:$0x2] =	wrdreg s0  }
0xac: {  	[dreg:$0x3] =	wrdreg s22  }
0xad: {  	[dreg:$0x4] =	wrdreg $0x9  }
0xae: {  	_ =	task.clear_ibuf [dreg:s5], $0x5FFFF;
	_ =	strace $0x90000046  }
0xaf: {  	s26 =	simm.s32 $0x9;
	_ =	strace $0x80000048  }
0xb0: {  	_ =	swait.ge [sflag:s26], $0x1  }
0xb1: {  	[sflag:s26] =	ssyncadd.s32 $0xFFFFFFFF  }
0xb2: {  	_ =	strace $0x90000048  }
0xb3: {  	_ =	sfence  }
0xb4: {  	s28 =	sld [smem:$0x0];
	_ =	sdelay $0x1  }
0xb5: {  	s29 =	srdreg.scid  }
0xb6: {  	s30 =	sshll.u32 s29, $0xD;
	s31 =	sshrl.u32 s29, $0x2  }
0xb7: {  	s2 =	sand.u32 $0x4000, s30;
	s1 =	sand.u32 $0x1, s29;
	s0 =	sadd.s32 s31, s28  }
0xb8: {  	s1 =	sor.u32 s2, s1;
	s0 =	sshll.u32 s0, $0x11  }
0xb9: {  	s0 =	sor.u32 s0, s1  }
0xba: {  	s0 =	sadd.s32 $0x8F2B, s0  }
0xbb: {  	[sflag:s0] =	ssyncadd.remote.s32 $0x1  }
0xbc: {  	_ =	sfence.sel $0xFFFF  }
0xbd: {  	[dreg:$0x0] =	wrdreg $0xFFFFFFFF;
	(pc) =	sbr.abs _section_cstart, $3  }
0xbe: {  	[dreg:$0x1] =	wrdreg $0xFFFFFFFF  }
0xbf: {  	_ =	task.clear_ibuf [dreg:s5], $0x2FFFF;
	_ =	strace $0x9FFFFFFF  }
0xc0: {  	(tm) =	ssettm $0x7FFFFFFF  }
0xc1: {  	_ =	shalt  }
tec
execute0_lowered:
.L_overlay_start_1:
0x0: {  	(tag) =	ssettag $0x1  }
0x1: {  	s2 =	stileid.u32  }
0x2: {  	p0 =	sne.s32 s2, $0x0  }
.Ltmp0:
0x3: {  	_ = 	snop;
	(pc) =	sbr.rel @p0 .LBB2_6-.Ltmp0, $4  }
0x4: {  	_ = 	snop  }
0x5: {  	s3 =	rddreg [dreg:$0x0]  }
0x6: {  	s1 =	rddreg [dreg:$0x1]  }
0x7: {  	s0 =	rddreg [dreg:$0x2];
	_ =	strace $0x80000047  }
0x8: {  	s2 =	simm.s32 $0x0;
	s4 =	simm.s32 $0x7D00;
	s30 =	simm.s32 $0x1  }
0x9: {  	[tilespmem:s4], [sflag:$0x1] =	stream.linear.gather [hbm4b:s3+s2], $0x1000, $0x38;
	[tilespmem:$0x9D00] =	vst v63  }
0xa: {  	_ =	swait.ge [sflag:s30], $0x1000  }
0xb: {  	[sflag:s30] =	ssyncset.done $0x0  }
0xc: {  	s31 =	sadd.s32 $0xC00, s1;
	s5 =	simm.s32 $0x8D00;
	[sflag:s30] =	ssyncadd.s32 $0xFFFFF000  }
0xd: {  	[tilespmem:s5], [sflag:$0x1] =	stream.linear.gather [hbm4b:s31+s2], $0x1000, $0x38;
	[tilespmem:$0x9D00] =	vst v63  }
0xe: {  	_ =	swait.ge [sflag:s30], $0x1000  }
0xf: {  	[sflag:s30] =	ssyncset.done $0x0  }
0x10: {  	s1 =	sadd.s32 $0xE00, s1;
	v0 =	vimm.f32 $-3.000000000e+00;
	[sflag:s30] =	ssyncadd.s32 $0xFFFFF000  }
.LBB2_2:
0x11: {  	p1 =	sne.s32 s2, $0x1F3C0  }
.Ltmp1:
0x12: {  	_ = 	snop;
	(pc) =	sbr.rel @p1 .LBB2_2-.Ltmp1, $3  }
0x13: {  	_ =	sdelay $0x1  }
0x14: {  	s3 =	sshra.s32 s2, $0x2  }
0x15: {  	s2 =	sadd.s32 $0x40, s2;
	[tilespmem:s3+$0x0] =	vst v0  }
0x16: {  	s2 =	simm.s32 $0x0;
	s4 =	simm.s32 $0x0;
	s3 =	simm.s32 $0x40  }
.LBB2_4:
0x17: {  	p1 =	sne.s32 s3, $0x3FC0;
	v0 =	vld [tilespmem:s4+$0x7D00];
	_ =	sdelay $0x2  }
0x18: {  	v1 =	vld [tilespmem:s4+$0x8D00]  }
.Ltmp2:
0x19: {  	(pc) =	sbr.rel @p1 .LBB2_4-.Ltmp2, $2  }
0x1a: {  	_ =	sdelay $0x2  }
0x1b: {  	s4 =	sshra.s32 s3, $0x2;
	s3 =	sadd.s32 $0x40, s3;
	[tilespmem:v0+s2+$0x0] =	vst.idx.msk $0xffff, v1  }
0x1c: {  	v0 =	vld [tilespmem:s4+$0x7D00];
	_ =	sdelay $0x2  }
0x1d: {  	v1 =	vld [tilespmem:s4+$0x8D00];
	_ =	sdelay $0x4  }
0x1e: {  	s30 =	simm.s32 $0x0;
	s31 =	simm.s32 $0x1;
	[tilespmem:v0+s2+$0x0] =	vst.idx.msk $0xffff, v1  }
0x1f: {  	[hbm4b:s1+s30] =	stream.linear.scatter [tilespmem:s30], [sflag:$0x1], $0x7D00, $0x38;
	[tilespmem:$0x9D00] =	vst v63  }
0x20: {  	_ =	swait.ge [sflag:s31], $0x7D00  }
0x21: {  	[sflag:s31] =	ssyncset.done $0x0  }
0x22: {  	[sflag:s31] =	ssyncadd.s32 $0xFFFF8300  }
.LBB2_6:
0x23: {  	_ =	sfence.sel $0x180000  }
0x24: {  	[bflag:$0x0] =	sbarrier.arrive $0xFFFF  }
0x25: {  	_ =	strace $0x90000047  }
0x26: {  	s0 =	sadd.s32 @!p0 $0x100000, s0;
	[bflag:$0x2] =	sbarrier.arrive $0xFFFF  }
0x27: {  	[sflag:s0] =	ssyncadd.tile.s32 @!p0 $0x1;
	_ =	shalt  }
.Lfunc_end2:
_tile_overlayer_lowered:
.L_overlay_start_2:
0x28: {  	(tag) =	ssettag $0x2  }
0x29: {  	s0 =	rddreg [dreg:$0x0];
	s2 =	stileid.u32  }
0x2a: {  	s1 =	rddreg [dreg:$0x1];
	p0 =	sne.s32 s2, $0x0  }
0x2b: {  	s3 =	rddreg [dreg:$0x2];
	[bflag:$0x3] =	sbarrier.arrive $0xFFFF;
	s2 =	simm.s32 @!p0 $0x1C01  }
0x2c: {  	[timem:s3], [sflag:s2] =	dma.local @!p0 [hbm:s0], s1  }
0x2d: {  	s0 =	simm.s32 @!p0 $0x1  }
0x2e: {  	_ =	swait.ge @!p0 [sflag:s0], s1  }
0x2f: {  	s1 =	ssub.s32 @!p0 $0x0, s1;
	[sflag:s0] =	ssyncset.done @!p0 $0x0  }
0x30: {  	[sflag:s0] =	ssyncadd.s32 @!p0 s1  }
0x31: {  	[bflag:$0x3] =	sbarrier.arrive $0xFFFF  }
0x32: {  	_ =	shalt  }

</sc_bundles>
